<compile_context>
chip_gen: v7x
topology: tpu7x:2x2x1
jax: 0.10.2.dev20260603
libtpu: 0.0.44.dev20260713+nightly
codegen_flags: <defaults>
</compile_context>

<pallas_src>
import functools

import jax
import jax.numpy as jnp
import numpy as np
from jax import lax
from jax.experimental import pallas as pl
from jax.experimental.pallas import tpu as pltpu
from jax.experimental.pallas import tpu_sc as plsc

VOCAB = 100000
NUMIMG = 128
VPAD = 102400
NW = 32
CHUNK = VPAD // NW
NIDX = 10240


def _sc_gather_scatter(tgt, xtf):
    mesh = plsc.VectorSubcoreMesh(core_axis_name="c", subcore_axis_name="s")

    @functools.partial(
        pl.kernel,
        out_type=(
            jax.ShapeDtypeStruct((VPAD,), jnp.float32),
            jax.ShapeDtypeStruct((VPAD,), jnp.float32),
        ),
        mesh=mesh,
        scratch_types=[
            pltpu.VMEM((NIDX,), jnp.int32),
            pltpu.VMEM((CHUNK,), jnp.float32),
            pltpu.VMEM((CHUNK,), jnp.int32),
            pltpu.VMEM((CHUNK,), jnp.float32),
            pltpu.SemaphoreType.DMA,
        ],
        compiler_params=pltpu.CompilerParams(needs_layout_passes=False),
    )
    def body(tgt_hbm, xtf_hbm, ind_hbm, row_hbm, idx_v, chunk_v, gidx_v, col_v, sem):
        wid = lax.axis_index("s") * 2 + lax.axis_index("c")
        base = wid * CHUNK

        lane = lax.iota(jnp.int32, 16)

        @plsc.parallel_loop(0, CHUNK, step=16, unroll=8)
        def _mkidx(i):
            v = base + i + lane
            v = jnp.minimum(v, VOCAB - 1)
            gidx_v[pl.ds(i, 16)] = v * NUMIMG

        gath = pltpu.async_copy(xtf_hbm.at[gidx_v], col_v, sem)

        pltpu.sync_copy(tgt_hbm, idx_v)

        zeros = jnp.zeros((16,), jnp.float32)

        @plsc.parallel_loop(0, CHUNK, step=16, unroll=8)
        def _zero(i):
            chunk_v[pl.ds(i, 16)] = zeros

        ones = jnp.ones((16,), jnp.float32)
        limit = jnp.uint32(CHUNK)

        @plsc.parallel_loop(0, NIDX, step=16, unroll=8)
        def _scat(i):
            idx = idx_v[pl.ds(i, 16)]
            loc = idx - base
            m = plsc.bitcast(loc, jnp.uint32) < limit
            plsc.store_scatter(chunk_v, [loc], ones, mask=m)

        pltpu.sync_copy(chunk_v, ind_hbm.at[pl.ds(base, CHUNK)])

        gath.wait()
        pltpu.sync_copy(col_v, row_hbm.at[pl.ds(base, CHUNK)])

    return body(tgt, xtf)


def _tc_loss_body(x_ref, m_ref, v_ref, o_ref):
    x = x_ref[...]
    ind = m_ref[...]
    vm = v_ref[...]
    validb = vm > 0.5
    posb = (ind > 0.5) & validb
    arg = jnp.where(posb, x + 1e-30, 1.0 - x + 1e-15)
    arg = jnp.where(validb, arg, 1.0)
    lg = jnp.log(arg)
    posf = posb.astype(jnp.float32)
    sp = jnp.sum(lg * posf)
    sall = jnp.sum(lg)
    npos = jnp.sum(posf)
    nneg = jnp.float32(VOCAB - 1) - npos
    o_ref[0, 0] = -sp / npos - (sall - sp) / nneg


def _tc_loss(row0p, ind, validf):
    return pl.pallas_call(
        _tc_loss_body,
        out_shape=jax.ShapeDtypeStruct((1, 1), jnp.float32),
        out_specs=pl.BlockSpec(memory_space=pltpu.SMEM),
    )(row0p, ind, validf)


def _valid_mask():
    v = np.zeros((VPAD,), np.float32)
    v[1:VOCAB] = 1.0
    return jnp.asarray(v)


def kernel(input, target):
    tgt = target.reshape(-1).astype(jnp.int32)
    xtf = input.T.reshape(-1)
    ind, row0p = _sc_gather_scatter(tgt, xtf)
    out2d = _tc_loss(row0p, ind, _valid_mask())
    return out2d[0, 0]

# --- scband reference (transcript-rebuilt; emitter-appended) ---
"""Pipeline reference for scband-mil-crit-65085934404006 (READ-ONLY COPY).

The authoritative reference and input builder live on the scoring server;
editing this copy changes nothing except your own understanding.
"""

import jax, jax.numpy as jnp
import numpy as np

VOCAB_SIZE = 100000
NUM_IMG = 128
SEQ_PER_IMG = 5
SEQ_LENGTH = 16


def setup_inputs(seed: int = 0) -> dict:
    key = jax.random.key(seed)
    k1, k2 = jax.random.split(key)
    # input: prob(w in Image), must lie in (0,1) -> uniform fill
    inp = jax.random.uniform(k1, (NUM_IMG, VOCAB_SIZE), dtype=jnp.float32)
    # target: labels, shape [num_img * seq_per_img, seq_length]
    target = jax.random.randint(k2, (NUM_IMG * SEQ_PER_IMG, SEQ_LENGTH), 0, VOCAB_SIZE, dtype=jnp.int32)
    return {"input": inp, "target": target}


def reference(input, target):
    vocab_size = input.shape[1]
    in_pos = jnp.zeros((vocab_size,), dtype=bool).at[target.reshape(-1)].set(True)
    ids = jnp.arange(vocab_size, dtype=jnp.int32)
    mask_pos = (in_pos & (ids > 0)).astype(jnp.float32)
    mask_neg = ((~in_pos) & (ids > 0)).astype(jnp.float32)
    # torch.gather(dim=1, index=[1,K]) reads from row 0 only (batch_size=1 assumption)
    log_in = jnp.log(input + 1e-30)
    log_1m = jnp.log(1.0 - input + 1e-15)
    log_pos = -jnp.sum(log_in[0] * mask_pos)
    log_neg = -jnp.sum(log_1m[0] * mask_neg)
    out = log_pos / jnp.sum(mask_pos) + log_neg / jnp.sum(mask_neg)
    return out

if __name__ == "__main__":
    import jax
    _d = setup_inputs()
    print(jax.jit(kernel)(*tuple(_d.values())))

</pallas_src>

<mosaic_0001>
#map = affine_map<(d0, d1) -> (0)>
module attributes {stable_mosaic.version = 14 : i64} {
  func.func @body(%arg0: i32, %arg1: i32, %arg2: memref<10240xi32, #tpu.memory_space<hbm>>, %arg3: memref<12800000xf32, #tpu.memory_space<hbm>>, %arg4: memref<102400xf32, #tpu.memory_space<hbm>>, %arg5: memref<102400xf32, #tpu.memory_space<hbm>>, %arg6: memref<10240xi32, #tpu.memory_space<vmem>>, %arg7: memref<3200xf32, #tpu.memory_space<vmem>>, %arg8: memref<3200xi32, #tpu.memory_space<vmem>>, %arg9: memref<3200xf32, #tpu.memory_space<vmem>>, %arg10: memref<!tpu.dma_semaphore, #tpu.memory_space<semaphore_mem>>) attributes {dimension_semantics = [#tpu.dimension_semantics<core_parallel>, #tpu.dimension_semantics<subcore_parallel>], iteration_bounds = array<i64: 2, 16>, scalar_prefetch = 0 : i64, scratch_operands = 5 : i64, tpu.core_type = #tpu.core_type<sc_vector_subcore>, window_params = [{transform_indices = #map}, {transform_indices = #map}, {transform_indices = #map}, {transform_indices = #map}]} {
    %mul3A = arith.constant 2 : i32
    %mul3A_0 = arith.muli %arg1, %mul3A : i32
    %add3A = arith.addi %mul3A_0, %arg0 : i32
    %mul3A_1 = arith.constant 3200 : i32
    %mul3A_2 = arith.muli %add3A, %mul3A_1 : i32
    %iota3A = tpu.iota {dimensions = array<i32: 0>} : vector<16xi32>
    %parallel_loop3A = arith.constant 0 : i32
    %parallel_loop3A_3 = arith.constant 3200 : i32
    %parallel_loop3A_4 = arith.constant 16 : i32
    scf.for %parallel_loop3A_17 = %parallel_loop3A to %parallel_loop3A_3 step %parallel_loop3A_4  : i32 {
      %parallel_loop3A_18 = arith.addi %mul3A_2, %parallel_loop3A_17 : i32
      %parallel_loop3A_19 = vector.broadcast %parallel_loop3A_18 : i32 to vector<16xi32>
      %parallel_loop3A_20 = arith.addi %parallel_loop3A_19, %iota3A : vector<16xi32>
      %parallel_loop3A_21 = arith.constant 99999 : i32
      %parallel_loop3A_22 = vector.broadcast %parallel_loop3A_21 : i32 to vector<16xi32>
      %parallel_loop3A_23 = arith.minsi %parallel_loop3A_20, %parallel_loop3A_22 : vector<16xi32>
      %parallel_loop3A_24 = arith.constant 128 : i32
      %parallel_loop3A_25 = vector.broadcast %parallel_loop3A_24 : i32 to vector<16xi32>
      %parallel_loop3A_26 = arith.muli %parallel_loop3A_23, %parallel_loop3A_25 : vector<16xi32>
      %parallel_loop3A_27 = arith.index_cast %parallel_loop3A_17 : i32 to index
      %parallel_loop3A_28 = tpu.vector_load %arg8[%parallel_loop3A_27] {strides = array<i32>} : memref<3200xi32, #tpu.memory_space<vmem>>, vector<16xi32>,
      tpu.vector_store %arg8[%parallel_loop3A_27], %parallel_loop3A_26 {strides = array<i32>} : memref<3200xi32, #tpu.memory_space<vmem>>, vector<16xi32>,
    } {sc.loop_unroll_factor = 8 : i64, sc.parallel_access}
    %dma_start3A = arith.constant 0 : i32
    %dma_start3A_5 = tpu.memref_slice %arg3[%dma_start3A] : memref<12800000xf32, #tpu.memory_space<hbm>> -> memref<12800000xf32, #tpu.memory_space<hbm>>
    tpu.enqueue_indirect_dma source(%dma_start3A_5 : memref<12800000xf32, #tpu.memory_space<hbm>>) target(%arg9 : memref<3200xf32, #tpu.memory_space<vmem>>) offsets(%arg8 : memref<3200xi32, #tpu.memory_space<vmem>>) semaphore(%arg10 : memref<!tpu.dma_semaphore, #tpu.memory_space<semaphore_mem>>)
    "tpu.region"() ({
      %run_scoped3A = tpu.sem_alloc : memref<!tpu.dma_semaphore, #tpu.memory_space<semaphore_mem>>
      tpu.enqueue_dma source(%arg2 : memref<10240xi32, #tpu.memory_space<hbm>>) target(%arg6 : memref<10240xi32, #tpu.memory_space<vmem>>) target_semaphore(%run_scoped3A : memref<!tpu.dma_semaphore, #tpu.memory_space<semaphore_mem>>)
      tpu.wait_dma2 semaphore(%run_scoped3A : memref<!tpu.dma_semaphore, #tpu.memory_space<semaphore_mem>>) src(%arg2 : memref<10240xi32, #tpu.memory_space<hbm>>) dst(%arg6 : memref<10240xi32, #tpu.memory_space<vmem>>)
      tpu.yield
    }) : () -> ()
    %broadcast_in_dim3A = arith.constant 0.000000e+00 : f32
    %broadcast_in_dim3A_6 = vector.broadcast %broadcast_in_dim3A : f32 to vector<16xf32>
    %parallel_loop3A_7 = arith.constant 0 : i32
    %parallel_loop3A_8 = arith.constant 3200 : i32
    %parallel_loop3A_9 = arith.constant 16 : i32
    scf.for %parallel_loop3A_17 = %parallel_loop3A_7 to %parallel_loop3A_8 step %parallel_loop3A_9  : i32 {
      %parallel_loop3A_18 = arith.index_cast %parallel_loop3A_17 : i32 to index
      %parallel_loop3A_19 = tpu.vector_load %arg7[%parallel_loop3A_18] {strides = array<i32>} : memref<3200xf32, #tpu.memory_space<vmem>>, vector<16xf32>,
      tpu.vector_store %arg7[%parallel_loop3A_18], %broadcast_in_dim3A_6 {strides = array<i32>} : memref<3200xf32, #tpu.memory_space<vmem>>, vector<16xf32>,
    } {sc.loop_unroll_factor = 8 : i64, sc.parallel_access}
    %broadcast_in_dim3A_10 = arith.constant 1.000000e+00 : f32
    %broadcast_in_dim3A_11 = vector.broadcast %broadcast_in_dim3A_10 : f32 to vector<16xf32>
    %parallel_loop3A_12 = arith.constant 0 : i32
    %parallel_loop3A_13 = arith.constant 10240 : i32
    %parallel_loop3A_14 = arith.constant 16 : i32
    %parallel_loop3A_15 = arith.constant 3200 : i32
    scf.for %parallel_loop3A_17 = %parallel_loop3A_12 to %parallel_loop3A_13 step %parallel_loop3A_14  : i32 {
      %parallel_loop3A_18 = arith.index_cast %parallel_loop3A_17 : i32 to index
      %parallel_loop3A_19 = tpu.vector_load %arg6[%parallel_loop3A_18] {strides = array<i32>} : memref<10240xi32, #tpu.memory_space<vmem>>, vector<16xi32>,
      %parallel_loop3A_20 = vector.broadcast %mul3A_2 : i32 to vector<16xi32>
      %parallel_loop3A_21 = arith.subi %parallel_loop3A_19, %parallel_loop3A_20 : vector<16xi32>
      %parallel_loop3A_22 = vector.bitcast %parallel_loop3A_21 : vector<16xi32> to vector<16xi32>
      %parallel_loop3A_23 = vector.broadcast %parallel_loop3A_15 : i32 to vector<16xi32>
      %parallel_loop3A_24 = arith.cmpi ult, %parallel_loop3A_22, %parallel_loop3A_23 : vector<16xi32>
      tpu.vector_store_idx %arg7[%parallel_loop3A_21], %broadcast_in_dim3A_11 masked %parallel_loop3A_24 : memref<3200xf32, #tpu.memory_space<vmem>>[vector<16xi32>], vector<16xf32>, vector<16xi1>
    } {sc.loop_unroll_factor = 8 : i64, sc.parallel_access}
    "tpu.region"() ({
      %run_scoped3A = tpu.sem_alloc : memref<!tpu.dma_semaphore, #tpu.memory_space<semaphore_mem>>
      %dma_start3A_17 = tpu.memref_slice %arg4[%mul3A_2] : memref<102400xf32, #tpu.memory_space<hbm>> -> memref<3200xf32, #tpu.memory_space<hbm>>
      %dma_start3A_18 = tpu.memref_slice %arg4[%mul3A_2] : memref<102400xf32, #tpu.memory_space<hbm>> -> memref<3200xf32, #tpu.memory_space<hbm>>
      tpu.enqueue_dma source(%arg7 : memref<3200xf32, #tpu.memory_space<vmem>>) target(%dma_start3A_18 : memref<3200xf32, #tpu.memory_space<hbm>>) target_semaphore(%run_scoped3A : memref<!tpu.dma_semaphore, #tpu.memory_space<semaphore_mem>>)
      %dma_wait3A_19 = tpu.memref_slice %arg4[%mul3A_2] : memref<102400xf32, #tpu.memory_space<hbm>> -> memref<3200xf32, #tpu.memory_space<hbm>>
      %dma_wait3A_20 = tpu.memref_slice %arg4[%mul3A_2] : memref<102400xf32, #tpu.memory_space<hbm>> -> memref<3200xf32, #tpu.memory_space<hbm>>
      tpu.wait_dma2 semaphore(%run_scoped3A : memref<!tpu.dma_semaphore, #tpu.memory_space<semaphore_mem>>) src(%arg7 : memref<3200xf32, #tpu.memory_space<vmem>>) dst(%dma_wait3A_20 : memref<3200xf32, #tpu.memory_space<hbm>>)
      tpu.yield
    }) : () -> ()
    %dma_wait3A = arith.constant 0 : i32
    %dma_wait3A_16 = tpu.memref_slice %arg3[%dma_wait3A] : memref<12800000xf32, #tpu.memory_space<hbm>> -> memref<12800000xf32, #tpu.memory_space<hbm>>
    tpu.wait_indirect_dma semaphore(%arg10 : memref<!tpu.dma_semaphore, #tpu.memory_space<semaphore_mem>>) src(%dma_wait3A_16 : memref<12800000xf32, #tpu.memory_space<hbm>>) dst(%arg9 : memref<3200xf32, #tpu.memory_space<vmem>>)
    "tpu.region"() ({
      %run_scoped3A = tpu.sem_alloc : memref<!tpu.dma_semaphore, #tpu.memory_space<semaphore_mem>>
      %dma_start3A_17 = tpu.memref_slice %arg5[%mul3A_2] : memref<102400xf32, #tpu.memory_space<hbm>> -> memref<3200xf32, #tpu.memory_space<hbm>>
      %dma_start3A_18 = tpu.memref_slice %arg5[%mul3A_2] : memref<102400xf32, #tpu.memory_space<hbm>> -> memref<3200xf32, #tpu.memory_space<hbm>>
      tpu.enqueue_dma source(%arg9 : memref<3200xf32, #tpu.memory_space<vmem>>) target(%dma_start3A_18 : memref<3200xf32, #tpu.memory_space<hbm>>) target_semaphore(%run_scoped3A : memref<!tpu.dma_semaphore, #tpu.memory_space<semaphore_mem>>)
      %dma_wait3A_19 = tpu.memref_slice %arg5[%mul3A_2] : memref<102400xf32, #tpu.memory_space<hbm>> -> memref<3200xf32, #tpu.memory_space<hbm>>
      %dma_wait3A_20 = tpu.memref_slice %arg5[%mul3A_2] : memref<102400xf32, #tpu.memory_space<hbm>> -> memref<3200xf32, #tpu.memory_space<hbm>>
      tpu.wait_dma2 semaphore(%run_scoped3A : memref<!tpu.dma_semaphore, #tpu.memory_space<semaphore_mem>>) src(%arg9 : memref<3200xf32, #tpu.memory_space<vmem>>) dst(%dma_wait3A_20 : memref<3200xf32, #tpu.memory_space<hbm>>)
      tpu.yield
    }) : () -> ()
    return
  }
}

module attributes {stable_mosaic.version = 14 : i64} {
  func.func @_tc_loss_body(%arg0: memref<102400xf32, #tpu.memory_space<vmem>>, %arg1: memref<102400xf32, #tpu.memory_space<vmem>>, %arg2: memref<102400xf32, #tpu.memory_space<vmem>>, %arg3: memref<1x1xf32, #tpu.memory_space<smem>>) attributes {dimension_semantics = [], scalar_prefetch = 0 : i64, scratch_operands = 0 : i64, tpu.core_type = #tpu.core_type<tc>} {
    %get3A = arith.constant 0 : index
    %get3A_0 = vector.load %arg0[%get3A] : memref<102400xf32, #tpu.memory_space<vmem>>, vector<102400xf32>
    %get3A_1 = arith.constant 0 : index
    %get3A_2 = vector.load %arg1[%get3A_1] : memref<102400xf32, #tpu.memory_space<vmem>>, vector<102400xf32>
    %get3A_3 = arith.constant 0 : index
    %get3A_4 = vector.load %arg2[%get3A_3] : memref<102400xf32, #tpu.memory_space<vmem>>, vector<102400xf32>
    %gt3A = arith.constant 5.000000e-01 : f32
    %gt3A_5 = vector.broadcast %gt3A : f32 to vector<102400xf32>
    %gt3A_6 = arith.cmpf ogt, %get3A_4, %gt3A_5 : vector<102400xf32>
    %gt3A_7 = arith.constant 5.000000e-01 : f32
    %gt3A_8 = vector.broadcast %gt3A_7 : f32 to vector<102400xf32>
    %gt3A_9 = arith.cmpf ogt, %get3A_2, %gt3A_8 : vector<102400xf32>
    %and3A = arith.andi %gt3A_9, %gt3A_6 : vector<102400xi1>
    %add3A = arith.constant 1.000000e-30 : f32
    %add3A_10 = vector.broadcast %add3A : f32 to vector<102400xf32>
    %add3A_11 = arith.addf %get3A_0, %add3A_10 : vector<102400xf32>
    %sub3A = arith.constant 1.000000e+00 : f32
    %sub3A_12 = vector.broadcast %sub3A : f32 to vector<102400xf32>
    %sub3A_13 = arith.subf %sub3A_12, %get3A_0 : vector<102400xf32>
    %add3A_14 = arith.constant 1.000000e-15 : f32
    %add3A_15 = vector.broadcast %add3A_14 : f32 to vector<102400xf32>
    %add3A_16 = arith.addf %sub3A_13, %add3A_15 : vector<102400xf32>
    %select_n3A = arith.select %and3A, %add3A_11, %add3A_16 : vector<102400xi1>, vector<102400xf32>
    %jit3A = arith.constant 1.000000e+00 : f32
    %broadcast_in_dim3A = vector.broadcast %jit3A : f32 to vector<102400xf32>
    %select_n3A_17 = arith.select %gt3A_6, %select_n3A, %broadcast_in_dim3A : vector<102400xi1>, vector<102400xf32>
    %log3A = math.log %select_n3A_17 : vector<102400xf32>
    %convert_element_type3A = arith.extui %and3A : vector<102400xi1> to vector<102400xi32>
    %convert_element_type3A_18 = arith.sitofp %convert_element_type3A : vector<102400xi32> to vector<102400xf32>
    %mul3A = arith.mulf %log3A, %convert_element_type3A_18 : vector<102400xf32>
    %reduce_sum3A = vector.shape_cast %mul3A : vector<102400xf32> to vector<1x102400xf32>
    %reduce_sum3A_19 = arith.constant dense<0.000000e+00> : vector<1xf32>
    %reduce_sum3A_20 = vector.multi_reduction <add>, %reduce_sum3A, %reduce_sum3A_19 [1] : vector<1x102400xf32> to vector<1xf32>
    %reduce_sum3A_21 = vector.shape_cast %reduce_sum3A_20 : vector<1xf32> to vector<1x1xf32>
    %reduce_sum3A_22 = vector.extract %reduce_sum3A_21[0, 0] : f32 from vector<1x1xf32>
    %reduce_sum3A_23 = vector.shape_cast %log3A : vector<102400xf32> to vector<1x102400xf32>
    %reduce_sum3A_24 = arith.constant dense<0.000000e+00> : vector<1xf32>
    %reduce_sum3A_25 = vector.multi_reduction <add>, %reduce_sum3A_23, %reduce_sum3A_24 [1] : vector<1x102400xf32> to vector<1xf32>
    %reduce_sum3A_26 = vector.shape_cast %reduce_sum3A_25 : vector<1xf32> to vector<1x1xf32>
    %reduce_sum3A_27 = vector.extract %reduce_sum3A_26[0, 0] : f32 from vector<1x1xf32>
    %reduce_sum3A_28 = vector.shape_cast %convert_element_type3A_18 : vector<102400xf32> to vector<1x102400xf32>
    %reduce_sum3A_29 = arith.constant dense<0.000000e+00> : vector<1xf32>
    %reduce_sum3A_30 = vector.multi_reduction <add>, %reduce_sum3A_28, %reduce_sum3A_29 [1] : vector<1x102400xf32> to vector<1xf32>
    %reduce_sum3A_31 = vector.shape_cast %reduce_sum3A_30 : vector<1xf32> to vector<1x1xf32>
    %reduce_sum3A_32 = vector.extract %reduce_sum3A_31[0, 0] : f32 from vector<1x1xf32>
    %sub3A_33 = arith.constant 9.999900e+04 : f32
    %sub3A_34 = arith.subf %sub3A_33, %reduce_sum3A_32 : f32
    %neg3A = arith.constant 0.000000e+00 : f32
    %neg3A_35 = arith.subf %neg3A, %reduce_sum3A_22 : f32
    %div3A = arith.divf %neg3A_35, %reduce_sum3A_32 : f32
    %sub3A_36 = arith.subf %reduce_sum3A_27, %reduce_sum3A_22 : f32
    %div3A_37 = arith.divf %sub3A_36, %sub3A_34 : f32
    %sub3A_38 = arith.subf %div3A, %div3A_37 : f32
    %swap3A = arith.constant 0 : index
    %swap3A_39 = arith.constant 0 : index
    %swap3A_40 = memref.load %arg3[%swap3A, %swap3A_39] : memref<1x1xf32, #tpu.memory_space<smem>>
    memref.store %sub3A_38, %arg3[%swap3A, %swap3A_39] : memref<1x1xf32, #tpu.memory_space<smem>>
    return
  }
}

</mosaic_0001>

<sc_bundles>
// kernel: kernel.4.cloned.1.call-start
scs
__scs_entry_jumppad:
0x0: {  	(pc) =	sbr.rel $0x88, $3  }
0x1: {  	(tag) =	ssettag $0x0;
	lr =	simm.s32 $0x1  }
0x2: {  	[smem:$0x3F9F] =	sst lr;
	_ =	strace $0xD0000000  }
0x3: {  	_ = 	snop  }
0x4: {  	_ = 	snop  }
0x5: {  	_ = 	snop  }
0x6: {  	_ = 	snop  }
0x7: {  	_ = 	snop  }
__scs_overlays_trampoline_lowered:
0x8: {  	[smem:$0x3FAE] =	sst s0  }
0x9: {  	[smem:$0x3FAF] =	sst s1  }
0xa: {  	[smem:$0x3FB0] =	sst s2  }
0xb: {  	[smem:$0x3FB1] =	sst s3  }
0xc: {  	[smem:$0x3FB2] =	sst s4  }
0xd: {  	[smem:$0x3FB3] =	sst s5  }
0xe: {  	[smem:$0x3FB4] =	sst s6  }
0xf: {  	[smem:$0x3FB5] =	sst s7  }
0x10: {  	[smem:$0x3FB6] =	sst s8  }
0x11: {  	[smem:$0x3FB7] =	sst s9;
	s0 =	simm.s32 @!p0 $0x0  }
0x12: {  	s1 =	sld [smem:$0x3F9D];
	s0 =	simm.s32 @p0 $0x1  }
0x13: {  	[smem:$0x3FB8] =	sst s0;
	s0 =	simm.s32 @!p1 $0x0  }
0x14: {  	s2 =	sld [smem:$0x3F9C];
	s0 =	simm.s32 @p1 $0x1  }
0x15: {  	[smem:$0x3FB9] =	sst s0;
	s0 =	simm.s32 @!p2 $0x0  }
0x16: {  	s3 =	sld [smem:$0x3FDB];
	s0 =	simm.s32 @p2 $0x1  }
0x17: {  	s4 =	simm.s32 $0x1BF5;
	[smem:$0x3FBB] =	sst s0  }
0x18: {  	s0 =	sld [smem:$0x3F9E];
	_ =	swait.ge [sflag:s4], $0x0  }
0x19: {  	s7 =	sld [smem:$0x3F9F]  }
0x1a: {  	s8 =	sadd.s32 $0xFFFFE003, lr  }
0x1b: {  	s9 =	sadd.s32 $0xFFFFFEF7, lr;
	s5 =	simm.s32 $0xFFFFFFFF;
	p2 =	slt.u32 s8, $0xFFFFF086  }
0x1c: {  	p1 =	slt.u32 s9, $0xF7A;
	s5 =	simm.s32 @!p2 $0x0  }
0x1d: {  	s5 =	simm.s32 @p1 $0x1;
	p0 =	seq.s32 s7, s2  }
0x1e: {  	s7 =	smul.u32 @!p0 $0xF7A, s2;
	p2 =	seq.s32 @!p0 s5, $0x0  }
0x1f: {  	s9 =	smul.u32 $0xF7A, s1;
	s8 =	simm.s32 @!p0 $0x1BF5;
	p2 =	por !p2, p0  }
0x20: {  	[sflag:s8] =	ssyncset.s32 @!p0 $0xFFFFF086;
	s6 =	sadd.s32 @!p0 s3, s7;
	s7 =	simm.s32 @!p0 $0x108  }
0x21: {  	s3 =	sadd.s32 s3, s9;
	s6 =	sadd.s32 @!p0 $0x88, s6;
	s7 =	simm.s32 @p2 $0x1082  }
0x22: {  	[simem:s7], [sflag:s8] =	dma.local @!p0 [hbm:s6], $0xF7A  }
0x23: {  	s9 =	sor.u32 $0xD0000000, s2;
	s6 =	simm.s32 $0x108;
	_ =	swait.ge @!p0 [sflag:s8], $0x0  }
0x24: {  	s3 =	sadd.s32 $0x88, s3;
	s6 =	simm.s32 @!p1 $0x1082;
	[sflag:s4] =	ssyncset.s32 $0xFFFFF086  }
0x25: {  	[simem:s6], [sflag:s4] =	dma.local [hbm:s3], $0xF7A  }
0x26: {  	[smem:$0x3F9F] =	sst s1;
	(tag) =	ssettag s2;
	_ =	strace s9  }
0x27: {  	s1 =	sld [smem:$0x3FAF]  }
0x28: {  	s2 =	sld [smem:$0x3FB0]  }
0x29: {  	s4 =	sld [smem:$0x3FB2]  }
0x2a: {  	p0 =	seq.s32 s5, $0x0;
	s5 =	sld [smem:$0x3FB3]  }
0x2b: {  	s6 =	sld [smem:$0x3FB4]  }
0x2c: {  	s7 =	sld [smem:$0x3FB5]  }
0x2d: {  	s3 =	simm.s32 $0x108;
	s8 =	sld [smem:$0x3FB6]  }
0x2e: {  	s3 =	simm.s32 @!p0 $0x1082;
	s9 =	sld [smem:$0x3FB7]  }
0x2f: {  	lr =	sadd.s32 s0, s3;
	s0 =	sld [smem:$0x3FAE]  }
0x30: {  	s3 =	sld [smem:$0x3FB1]  }
0x31: {  	[smem:$0x3FBA] =	sst s10  }
0x32: {  	s10 =	sld [smem:$0x3FB8];
	_ =	sdelay $0x3  }
0x33: {  	p0 =	seq.s32 s10, $0x1;
	s10 =	sld [smem:$0x3FBA];
	_ =	sdelay $0x3  }
0x34: {  	[smem:$0x3FBA] =	sst s10  }
0x35: {  	s10 =	sld [smem:$0x3FB9];
	_ =	sdelay $0x3  }
0x36: {  	p1 =	seq.s32 s10, $0x1;
	s10 =	sld [smem:$0x3FBA];
	_ =	sdelay $0x3  }
0x37: {  	[smem:$0x3FBA] =	sst s10  }
0x38: {  	s10 =	sld [smem:$0x3FBB]  }
0x39: {  	_ = 	snop;
	(pc) =	sbr.ind lr, $3  }
0x3a: {  	_ = 	snop  }
0x3b: {  	_ = 	snop  }
0x3c: {  	p2 =	seq.s32 s10, $0x1;
	s10 =	sld [smem:$0x3FBA]  }
0x3d: {  	_ =	shalt  }
0x3e: {  	_ =	shalt  }
0x3f: {  	_ =	shalt  }
0x40: {  	_ =	shalt  }
0x41: {  	_ =	shalt  }
0x42: {  	_ =	shalt  }
0x43: {  	_ =	shalt  }
0x44: {  	_ =	shalt  }
0x45: {  	_ =	shalt  }
0x46: {  	_ =	shalt  }
0x47: {  	_ =	shalt  }
0x48: {  	_ =	shalt  }
0x49: {  	_ =	shalt  }
0x4a: {  	_ =	shalt  }
0x4b: {  	_ =	shalt  }
0x4c: {  	_ =	shalt  }
0x4d: {  	_ =	shalt  }
0x4e: {  	_ =	shalt  }
0x4f: {  	_ =	shalt  }
0x50: {  	_ =	shalt  }
0x51: {  	_ =	shalt  }
0x52: {  	_ =	shalt  }
0x53: {  	_ =	shalt  }
0x54: {  	_ =	shalt  }
0x55: {  	_ =	shalt  }
0x56: {  	_ =	shalt  }
0x57: {  	_ =	shalt  }
0x58: {  	_ =	shalt  }
0x59: {  	_ =	shalt  }
0x5a: {  	_ =	shalt  }
0x5b: {  	_ =	shalt  }
0x5c: {  	_ =	shalt  }
0x5d: {  	_ =	shalt  }
0x5e: {  	_ =	shalt  }
0x5f: {  	_ =	shalt  }
0x60: {  	_ =	shalt  }
0x61: {  	_ =	shalt  }
0x62: {  	_ =	shalt  }
0x63: {  	_ =	shalt  }
0x64: {  	_ =	shalt  }
0x65: {  	_ =	shalt  }
0x66: {  	_ =	shalt  }
0x67: {  	_ =	shalt  }
0x68: {  	_ =	shalt  }
0x69: {  	_ =	shalt  }
0x6a: {  	_ =	shalt  }
0x6b: {  	_ =	shalt  }
0x6c: {  	_ =	shalt  }
0x6d: {  	_ =	shalt  }
0x6e: {  	_ =	shalt  }
0x6f: {  	_ =	shalt  }
0x70: {  	_ =	shalt  }
0x71: {  	_ =	shalt  }
0x72: {  	_ =	shalt  }
0x73: {  	_ =	shalt  }
0x74: {  	_ =	shalt  }
0x75: {  	_ =	shalt  }
0x76: {  	_ =	shalt  }
0x77: {  	_ =	shalt  }
0x78: {  	_ =	shalt  }
0x79: {  	_ =	shalt  }
0x7a: {  	_ =	shalt  }
0x7b: {  	_ =	shalt  }
0x7c: {  	_ =	shalt  }
0x7d: {  	_ =	shalt  }
0x7e: {  	_ =	shalt  }
0x7f: {  	_ =	shalt  }
0x80: {  	_ =	shalt  }
0x81: {  	_ =	shalt  }
0x82: {  	_ =	shalt  }
0x83: {  	_ =	shalt  }
0x84: {  	_ =	shalt  }
0x85: {  	_ =	shalt  }
0x86: {  	_ =	shalt  }
0x87: {  	_ =	shalt  }
.Lfunc_end0:
.L_simem_size_0:
called_computation_lowered:
.L_overlay_start_0:
0x88: {  	s2 =	sld [smem:$0x3FD9]  }
0x89: {  	s3 =	sld [smem:$0x3FFE];
	_ =	sdelay $0x1  }
0x8a: {  	s1 =	srdreg.scid  }
0x8b: {  	s0 =	sand.u32 $0x1, s1  }
0x8c: {  	s17 =	sshll.u32 s0, $0xA;
	s2 =	sadd.s32 s3, s2  }
0x8d: {  	s2 =	sadd.s32 s2, s17  }
0x8e: {  	[smem:$0x3FC6] =	sst s2  }
0x8f: {  	_ = 	snop  }
0x90: {  	s2 =	sld [smem:$0x3FC9];
	(tm) =	ssettm $0x1  }
0x91: {  	s18 =	sld [smem:$0x3FFB];
	_ =	sdelay $0x3  }
0x92: {  	_ =	strace s18  }
0x93: {  	s3 =	sld [smem:$0x3FFC];
	_ =	sdelay $0x3  }
0x94: {  	_ =	strace s3  }
0x95: {  	s3 =	sld [smem:$0x3FFD];
	_ =	sdelay $0x3  }
0x96: {  	_ =	strace s3  }
0x97: {  	_ =	strace $0x8FFFFFFF  }
0x98: {  	s19 =	sld [smem:$0x3FDB];
	_ =	sdelay $0x1  }
0x99: {  	s4 =	simm.s32 $_scs_section_size  }
0x9a: {  	s5 =	simm.s32 $_size__tile_overlayer_lowered;
	s6 =	simm.s32 $_tile_overlayer_lowered  }
0x9b: {  	s22 =	simm.s32 $0x1BFF;
	s21 =	sshll.u32 s6, $0x1;
	s3 =	sadd.s32 s4, s19  }
0x9c: {  	s7 =	simm.s32 $0x0;
	s20 =	sshll.u32 s5, $0x1;
	s5 =	sadd.s32 s21, s3  }
0x9d: {  	[timem:s7], [sflag:s22] =	dma.local [hbm:s5], s20  }
0x9e: {  	_ =	swait.ge [sflag:s22], s20  }
0x9f: {  	s4 =	ssub.s32 $0x0, s20;
	[sflag:s22] =	ssyncset.done $0x0  }
0xa0: {  	[sflag:s22] =	ssyncadd.s32 s4;
	_ =	sdelay $0x1  }
0xa1: {  	s23 =	simm.s32 $0x1B8B  }
0xa2: {  	_ =	swait.ge [sflag:s23], $0x1  }
0xa3: {  	[sflag:s23] =	ssyncset.done $0x0  }
0xa4: {  	s25 =	simm.s32 $0x1B8E;
	s24 =	sld [smem:$0x3FFE];
	[sflag:s23] =	ssyncadd.s32 $0xFFFFFFFF  }
0xa5: {  	s26 =	simm.s32 $execute0_lowered;
	[smem:$0x3FD2] =	sst s25  }
0xa6: {  	s5 =	sshll.u32 s26, $0x1;
	_ =	strace $0x80000046;
	[dreg:$0x1] =	wrdreg $0xFFFFFFFF  }
0xa7: {  	s28 =	simm.s32 $_size_execute0_lowered;
	s3 =	sadd.s32 s3, s5;
	[dreg:$0x0] =	wrdreg $0x0  }
0xa8: {  	s5 =	sshll.u32 s28, $0x1;
	[dreg:$0x2] =	wrdreg s3  }
0xa9: {  	[dreg:$0x3] =	wrdreg s5  }
0xaa: {  	[dreg:$0x4] =	wrdreg $0xC0  }
0xab: {  	_ =	task [dreg:s7], $0x5FFFF  }
0xac: {  	[dreg:$0x1] =	wrdreg $0xFFFFFFFF  }
0xad: {  	[dreg:$0x0] =	wrdreg $0x60  }
0xae: {  	[dreg:$0x2] =	wrdreg s24  }
0xaf: {  	[dreg:$0x3] =	wrdreg s2  }
0xb0: {  	[dreg:$0x4] =	wrdreg $0x9  }
0xb1: {  	_ =	task.clear_ibuf [dreg:s7], $0x5FFFF;
	_ =	strace $0x90000046  }
0xb2: {  	s29 =	simm.s32 $0x9;
	_ =	strace $0x80000048  }
0xb3: {  	_ =	swait.ge [sflag:s29], $0x1  }
0xb4: {  	[sflag:s29] =	ssyncadd.s32 $0xFFFFFFFF  }
0xb5: {  	_ =	strace $0x90000048  }
0xb6: {  	_ =	sfence  }
0xb7: {  	s30 =	sld [smem:$0x0];
	_ =	sdelay $0x2  }
0xb8: {  	s31 =	sshll.u32 s1, $0xD;
	s1 =	sshrl.u32 s1, $0x2  }
0xb9: {  	s3 =	sand.u32 $0x4000, s31;
	s1 =	sadd.s32 s1, s30  }
0xba: {  	s0 =	sor.u32 s3, s0;
	s1 =	sshll.u32 s1, $0x11  }
0xbb: {  	s0 =	sor.u32 s1, s0  }
0xbc: {  	s0 =	sadd.s32 $0x8F2B, s0  }
0xbd: {  	[sflag:s0] =	ssyncadd.remote.s32 $0x1  }
0xbe: {  	_ =	sfence.sel $0xFFFF  }
0xbf: {  	[dreg:$0x0] =	wrdreg $0xFFFFFFFF;
	(pc) =	sbr.abs _section_cstart, $3  }
0xc0: {  	[dreg:$0x1] =	wrdreg $0xFFFFFFFF  }
0xc1: {  	_ =	task.clear_ibuf [dreg:s7], $0x2FFFF;
	_ =	strace $0x9FFFFFFF  }
0xc2: {  	(tm) =	ssettm $0x7FFFFFFF  }
0xc3: {  	_ =	shalt  }
tec
execute0_lowered:
.L_overlay_start_1:
0x0: {  	(tag) =	ssettag $0x1  }
0x1: {  	s5 =	rddreg [dreg:$0x0];
	s1 =	srdreg.scid  }
0x2: {  	s0 =	stileid.u32;
	s2 =	rddreg [dreg:$0x1]  }
0x3: {  	s3 =	simm.s32 $0x0;
	s12 =	simm.s32 $0x2;
	s13 =	simm.s32 $0x2800  }
0x4: {  	s14 =	simm.s32 $0x1;
	s6 =	sand.u32 $0x1, s1;
	s4 =	sshll.u32 s0, $0x1  }
0x5: {  	s1 =	rddreg [dreg:$0x2];
	s9 =	smul.u32 $0x1900, s0;
	s4 =	sor.u32 s6, s4  }
0x6: {  	s15 =	simm.s32 $0x0;
	[smem:$0x7FF] =	sst s3;
	s10 =	smul.u32 $0xC80, s4  }
0x7: {  	_ =	strace $0x80000047;
	s8 =	ssub.s32 $0x2, s6;
	s11 =	smul.u32 $0xC80, s6  }
0x8: {  	s4 =	sadd.s32 $0xE00, s5;
	s31 =	sshrl.u32 s8, $0x1;
	s7 =	sshrl.u32 s10, $0x3  }
0x9: {  	s8 =	ssub.s32 s8, s31;
	v0 =	vmov s10;
	s10 =	simm.s32 $0x3480;
	s7 =	sadd.s32 s7, s5  }
0xa: {  	s5 =	sadd.s32 $0x1400, s7;
	s6 =	sadd.s32 $0x4600, s7;
	s7 =	smax.u32 s8, $0x1  }
0xb: {  	v1 =	vlaneseq.u32;
	v2 =	vimm.f32 $0.0e+00;
	v3 =	vimm.f32 $1.000000000e+00;
	s8 =	sadd.s32 s11, s9;
	s9 =	simm.s32 $0xC80;
	s11 =	simm.s32 $0x4100  }
.LBB2_1:
0xc: {  	s16 =	sadd.s32 $0xFFFFFF80, s8  }
0xd: {  	s17 =	sadd.s32 $0x80, s16;
	s18 =	sadd.s32 $0xF0, s16  }
0xe: {  	s28 =	sadd.s32 $0x90, s16;
	s19 =	sadd.s32 $0xA0, s16;
	s29 =	sadd.s32 $0xB0, s16;
	v4 =	vor.u32 s17, v1;
	v5 =	vor.u32 s18, v1  }
0xf: {  	s30 =	sadd.s32 $0xC0, s16;
	s31 =	sadd.s32 $0xD0, s16;
	s16 =	sadd.s32 $0xE0, s16;
	v6 =	vor.u32 s28, v1;
	v7 =	vor.u32 s19, v1;
	v8 =	vor.u32 s29, v1  }
0x10: {  	v10 =	vor.u32 s30, v1;
	v11 =	vor.u32 s31, v1;
	v12 =	vor.u32 s16, v1  }
0x11: {  	vm0 =	vlt.s32 v5, $0x1869F;
	vm13 =	vlt.s32 v4, $0x1869F;
	vm1 =	vlt.s32 v6, $0x1869F  }
0x12: {  	vm2 =	vlt.s32 v7, $0x1869F;
	vm3 =	vlt.s32 v8, $0x1869F;
	vm4 =	vlt.s32 v10, $0x1869F  }
0x13: {  	vm14 =	vlt.s32 v11, $0x1869F;
	vm15 =	vlt.s32 v12, $0x1869F;
	v5 =	vnsel vm0, $0x1869F, v5  }
0x14: {  	v14 =	vnsel vm13, $0x1869F, v4;
	v9 =	vnsel vm2, $0x1869F, v7;
	v8 =	vnsel vm3, $0x1869F, v8  }
0x15: {  	s16 =	simm.s32 $0x34C0;
	v4 =	vnsel vm4, $0x1869F, v10;
	v7 =	vnsel vm14, $0x1869F, v11;
	v13 =	vshll.u32 v5, $0x7  }
0x16: {  	s18 =	simm.s32 $0x0;
	s17 =	simm.s32 $0x34C0;
	v5 =	vnsel vm1, $0x1869F, v6;
	v10 =	vshll.u32 v14, $0x7;
	v6 =	vnsel vm15, $0x1869F, v12;
	[tilespmem:s16+$0x30] =	vst v13  }
.LBB2_2:
0x17: {  	s19 =	sadd.s32 s18, s8;
	s18 =	sadd.s32 $0x80, s18;
	[tilespmem:s16+$0xFFFFFFC0] =	vst v10;
	v5 =	vshll.u32 v5, $0x7;
	v9 =	vshll.u32 v9, $0x7;
	v8 =	vshll.u32 v8, $0x7  }
0x18: {  	v4 =	vshll.u32 v4, $0x7;
	v6 =	vshll.u32 v6, $0x7;
	s20 =	sadd.s32 $0x80, s19;
	s21 =	sadd.s32 $0xF0, s19;
	p0 =	slt.u32 s18, $0xC00;
	[tilespmem:s16+$0xFFFFFFD0] =	vst v5;
	v5 =	vshll.u32 v7, $0x7  }
0x19: {  	s22 =	sadd.s32 $0xA0, s19;
	s23 =	sadd.s32 $0xB0, s19;
	v7 =	vor.u32 s20, v1;
	s20 =	sadd.s32 $0x90, s19;
	v10 =	vor.u32 s21, v1;
	[tilespmem:s16+$0xFFFFFFE0] =	vst v9  }
0x1a: {  	v11 =	vor.u32 s22, v1;
	s21 =	sadd.s32 $0xD0, s19;
	v9 =	vor.u32 s20, v1;
	s20 =	sadd.s32 $0xC0, s19;
	s19 =	sadd.s32 $0xE0, s19;
	vm0 =	vlt.s32 v10, $0x1869F;
	[tilespmem:s16+$0xFFFFFFF0] =	vst v8  }
0x1b: {  	v8 =	vor.u32 s23, v1;
	v12 =	vor.u32 s20, v1;
	v10 =	vnsel vm0, $0x1869F, v10;
	[tilespmem:s16+$0x0] =	vst v4  }
0x1c: {  	v13 =	vor.u32 s21, v1;
	v14 =	vor.u32 s19, v1;
	s16 =	sadd.s32 $0x80, s16;
	v4 =	vshll.u32 v10, $0x7;
	[tilespmem:s17+$0x10] =	vst v5  }
.Ltmp0:
0x1d: {  	vm2 =	vlt.s32 v11, $0x1869F;
	vm0 =	vlt.s32 v7, $0x1869F;
	vm1 =	vlt.s32 v9, $0x1869F;
	[tilespmem:s16+$0x30] =	vst v4;
	(pc) =	sbr.rel @p0 .LBB2_2-.Ltmp0, $4  }
0x1e: {  	vm3 =	vlt.s32 v8, $0x1869F;
	vm5 =	vlt.s32 v13, $0x1869F;
	vm4 =	vlt.s32 v12, $0x1869F;
	[tilespmem:s17+$0x20] =	vst v6;
	s17 =	smov.u32 s16  }
0x1f: {  	v5 =	vnsel vm1, $0x1869F, v9;
	v6 =	vnsel vm0, $0x1869F, v7;
	vm0 =	vlt.s32 v14, $0x1869F  }
0x20: {  	v9 =	vnsel vm2, $0x1869F, v11;
	v8 =	vnsel vm3, $0x1869F, v8;
	v4 =	vnsel vm4, $0x1869F, v12  }
0x21: {  	v7 =	vnsel vm5, $0x1869F, v13;
	v10 =	vshll.u32 v6, $0x7;
	v6 =	vnsel vm0, $0x1869F, v14  }
0x22: {  	[tilespmem:s16+$0xFFFFFFC0] =	vst v10;
	v5 =	vshll.u32 v5, $0x7  }
0x23: {  	v9 =	vshll.u32 v9, $0x7;
	[tilespmem:s16+$0xFFFFFFD0] =	vst v5  }
0x24: {  	v4 =	vshll.u32 v4, $0x7;
	[tilespmem:s16+$0xFFFFFFE0] =	vst v9  }
0x25: {  	v5 =	vshll.u32 v8, $0x7;
	[tilespmem:s16+$0x0] =	vst v4  }
0x26: {  	v4 =	vshll.u32 v6, $0x7;
	[tilespmem:s16+$0xFFFFFFF0] =	vst v5  }
0x27: {  	v5 =	vshll.u32 v7, $0x7;
	[tilespmem:s17+$0x20] =	vst v4  }
0x28: {  	[tilespmem:s17+$0x10] =	vst v5  }
0x29: {  	[tilespmem:s11], [sflag:$0x1] =	stream.indirect.gather [hbm4b:s2+s9], $0x1, s10, s9, $0xb8;
	[tilespmem:$0x4D80] =	vst v63  }
0x2a: {  	_ = 	snop  }
0x2b: {  	[tilespmem:s3], [sflag:$0x2] =	stream.linear.gather [hbm4b:s4+s3], $0x2800, $0x38;
	[tilespmem:$0x4D80] =	vst v63  }
0x2c: {  	_ =	swait.ge [sflag:s12], $0x2800  }
0x2d: {  	[sflag:s12] =	ssyncset.done $0x0  }
0x2e: {  	s16 =	simm.s32 $0x2840;
	[sflag:s12] =	ssyncadd.s32 $0xFFFFD800  }
0x2f: {  	[tilespmem:s16+$0xFFFFFFC0] =	vst v2  }
0x30: {  	[tilespmem:s16+$0x30] =	vst v2  }
0x31: {  	[tilespmem:s16+$0x20] =	vst v2  }
0x32: {  	[tilespmem:s16+$0x10] =	vst v2  }
0x33: {  	[tilespmem:s16+$0x0] =	vst v2  }
0x34: {  	[tilespmem:s16+$0xFFFFFFF0] =	vst v2  }
0x35: {  	s18 =	simm.s32 $0x0;
	[tilespmem:s16+$0xFFFFFFE0] =	vst v2  }
.LBB2_4:
0x36: {  	s18 =	sadd.s32 $0x80, s18;
	[tilespmem:s16+$0xFFFFFFD0] =	vst v2;
	s16 =	sadd.s32 $0x80, s16;
	s17 =	simm.s32 $0x40  }
0x37: {  	[tilespmem:s16+$0xFFFFFFC0] =	vst v2;
	p0 =	slt.u32 s18, $0xC00  }
0x38: {  	[tilespmem:s16+$0x30] =	vst v2  }
.Ltmp1:
0x39: {  	[tilespmem:s16+$0x20] =	vst v2;
	(pc) =	sbr.rel @p0 .LBB2_4-.Ltmp1, $4  }
0x3a: {  	[tilespmem:s16+$0x10] =	vst v2  }
0x3b: {  	[tilespmem:s16+$0x0] =	vst v2  }
0x3c: {  	[tilespmem:s16+$0xFFFFFFF0] =	vst v2  }
0x3d: {  	[tilespmem:s16+$0xFFFFFFE0] =	vst v2  }
0x3e: {  	[tilespmem:s16+$0xFFFFFFD0] =	vst v2  }
0x3f: {  	v4 =	vld [tilespmem:s17+$0x30]  }
0x40: {  	v5 =	vld [tilespmem:s17+$0xFFFFFFD0]  }
0x41: {  	v6 =	vld [tilespmem:s17+$0xFFFFFFE0]  }
0x42: {  	v7 =	vld [tilespmem:s17+$0xFFFFFFF0]  }
0x43: {  	v8 =	vld [tilespmem:s17+$0x0]  }
0x44: {  	v9 =	vld [tilespmem:s17+$0x10]  }
0x45: {  	v11 =	vld [tilespmem:s17+$0x20]  }
0x46: {  	v12 =	vld [tilespmem:s17+$0xFFFFFFC0]  }
0x47: {  	v10 =	vsub.s32 v4, v0;
	v4 =	vand.u32 $0x7F, v4  }
0x48: {  	v13 =	vsub.s32 v5, v0;
	v14 =	vsub.s32 v6, v0;
	v16 =	vsub.s32 v7, v0  }
0x49: {  	v5 =	vand.u32 $0x7F, v5;
	v18 =	vsub.s32 v8, v0;
	v6 =	vand.u32 $0x7F, v6  }
0x4a: {  	v20 =	vsub.s32 v9, v0;
	v7 =	vand.u32 $0x7F, v7;
	v22 =	vsub.s32 v11, v0  }
0x4b: {  	v23 =	vsub.s32 v12, v0;
	v12 =	vand.u32 $0x7F, v12;
	v8 =	vand.u32 $0x7F, v8  }
0x4c: {  	v9 =	vand.u32 $0x7F, v9;
	v11 =	vand.u32 $0x7F, v11;
	vm0 =	vlt.u32 v10, $0xC80  }
0x4d: {  	s31 =	simm.s32 $0xC0;
	v10 =	vand.u32 $0xFFFFFF80, v10;
	v15 =	vand.u32 $0xFFFFFF80, v14;
	v17 =	vand.u32 $0xFFFFFF80, v16  }
0x4e: {  	v26 =	vld [tilespmem:s31+$0x30];
	v19 =	vand.u32 $0xFFFFFF80, v18;
	v21 =	vand.u32 $0xFFFFFF80, v20;
	v24 =	vand.u32 $0xFFFFFF80, v22  }
0x4f: {  	v25 =	vand.u32 $0xFFFFFF80, v23;
	vm4 =	vlt.u32 v23, $0xC80;
	vm5 =	vlt.u32 v13, $0xC80  }
0x50: {  	v23 =	vld [tilespmem:s31+$0xFFFFFFD0];
	vm6 =	vlt.u32 v14, $0xC80;
	vm3 =	vlt.u32 v16, $0xC80;
	v4 =	vor.u32 v4, v10  }
0x51: {  	v16 =	vld [tilespmem:s31+$0xFFFFFFF0];
	vm2 =	vlt.u32 v18, $0xC80;
	vm1 =	vlt.u32 v20, $0xC80;
	v12 =	vor.u32 v12, v25  }
0x52: {  	v10 =	vand.u32 $0xFFFFFF80, v13;
	v13 =	vld [tilespmem:s31+$0xFFFFFFE0];
	v14 =	vor.u32 v6, v15;
	v15 =	vor.u32 v7, v17  }
0x53: {  	v27 =	vld [tilespmem:s31+$0x0];
	v18 =	vor.u32 v8, v19;
	v28 =	vor.u32 v9, v21;
	v6 =	vsub.s32 v26, v0  }
0x54: {  	v21 =	vld [tilespmem:s31+$0x10];
	v9 =	vand.u32 $0x7F, v26;
	v10 =	vor.u32 v5, v10;
	v8 =	vand.u32 $0xFFFFFF80, v6  }
0x55: {  	v5 =	vld [tilespmem:s31+$0x20];
	vm7 =	vlt.u32 v6, $0xC80;
	v25 =	vor.u32 v9, v8;
	v7 =	vsub.s32 v23, v0;
	[tilespmem:v4+s13+$0x0] =	vst.idx.msk vm0, v3  }
0x56: {  	v9 =	vsub.s32 v16, v0;
	v17 =	vand.u32 $0x7F, v23;
	vm0 =	vlt.u32 v22, $0xC80;
	[tilespmem:v12+s13+$0x0] =	vst.idx.msk vm4, v3;
	v22 =	vld [tilespmem:s31+$0xFFFFFFC0]  }
0x57: {  	v20 =	vand.u32 $0x7F, v16;
	v4 =	vor.u32 v11, v24;
	v6 =	vsub.s32 v13, v0;
	[tilespmem:v14+s13+$0x0] =	vst.idx.msk vm6, v3  }
0x58: {  	v11 =	vand.u32 $0xFFFFFF80, v7;
	v12 =	vand.u32 $0xFFFFFF80, v9;
	v19 =	vand.u32 $0x7F, v13;
	[tilespmem:v15+s13+$0x0] =	vst.idx.msk vm3, v3  }
0x59: {  	v14 =	vsub.s32 v21, v0;
	[tilespmem:v18+s13+$0x0] =	vst.idx.msk vm2, v3;
	v21 =	vand.u32 $0x7F, v21;
	v8 =	vand.u32 $0xFFFFFF80, v6  }
0x5a: {  	[tilespmem:v10+s13+$0x0] =	vst.idx.msk vm5, v3;
	v10 =	vsub.s32 v27, v0;
	v15 =	vand.u32 $0xFFFFFF80, v14;
	v16 =	vsub.s32 v5, v0  }
0x5b: {  	[tilespmem:v28+s13+$0x0] =	vst.idx.msk vm1, v3;
	v13 =	vand.u32 $0xFFFFFF80, v10;
	v18 =	vand.u32 $0xFFFFFF80, v16;
	v23 =	vsub.s32 v22, v0  }
0x5c: {  	s16 =	simm.s32 $0x80;
	s17 =	simm.s32 $0x140;
	[tilespmem:v25+s13+$0x0] =	vst.idx.msk vm7, v3;
	v24 =	vand.u32 $0x7F, v22;
	v22 =	vand.u32 $0x7F, v27;
	v25 =	vand.u32 $0xFFFFFF80, v23  }
.LBB2_6:
0x5d: {  	v26 =	vld [tilespmem:s17+$0x30];
	s16 =	sadd.s32 $0x80, s16;
	vm6 =	vlt.u32 v23, $0xC80;
	v23 =	vor.u32 v24, v25;
	v5 =	vand.u32 $0x7F, v5;
	[tilespmem:v4+s13+$0x0] =	vst.idx.msk vm0, v3  }
0x5e: {  	vm5 =	vlt.u32 v7, $0xC80;
	v17 =	vor.u32 v17, v11;
	vm4 =	vlt.u32 v6, $0xC80;
	v24 =	vld [tilespmem:s17+$0xFFFFFFD0];
	p0 =	slt.u32 s16, $0x2780  }
0x5f: {  	v19 =	vor.u32 v19, v8;
	vm3 =	vlt.u32 v9, $0xC80;
	v20 =	vor.u32 v20, v12;
	v25 =	vld [tilespmem:s17+$0xFFFFFFE0]  }
0x60: {  	vm2 =	vlt.u32 v10, $0xC80;
	v22 =	vor.u32 v22, v13;
	vm1 =	vlt.u32 v14, $0xC80;
	v27 =	vld [tilespmem:s17+$0xFFFFFFF0]  }
0x61: {  	v29 =	vor.u32 v21, v15;
	vm0 =	vlt.u32 v16, $0xC80;
	v4 =	vor.u32 v5, v18;
	v28 =	vld [tilespmem:s17+$0x0]  }
0x62: {  	v21 =	vld [tilespmem:s17+$0x10];
	v6 =	vsub.s32 v26, v0  }
0x63: {  	v9 =	vand.u32 $0x7F, v26;
	v5 =	vld [tilespmem:s17+$0x20];
	vm7 =	vlt.u32 v6, $0xC80;
	v8 =	vand.u32 $0xFFFFFF80, v6;
	[tilespmem:v23+s13+$0x0] =	vst.idx.msk vm6, v3  }
0x64: {  	v7 =	vsub.s32 v24, v0;
	v18 =	vld [tilespmem:s17+$0xFFFFFFC0];
	v6 =	vsub.s32 v25, v0;
	v26 =	vor.u32 v9, v8  }
0x65: {  	v11 =	vand.u32 $0xFFFFFF80, v7;
	v8 =	vand.u32 $0xFFFFFF80, v6;
	v9 =	vsub.s32 v27, v0;
	[tilespmem:v17+s13+$0x0] =	vst.idx.msk vm5, v3  }
.Ltmp2:
0x66: {  	v17 =	vand.u32 $0x7F, v24;
	v12 =	vand.u32 $0xFFFFFF80, v9;
	v10 =	vsub.s32 v28, v0;
	[tilespmem:v19+s13+$0x0] =	vst.idx.msk vm4, v3;
	(pc) =	sbr.rel @p0 .LBB2_6-.Ltmp2, $4  }
0x67: {  	v19 =	vand.u32 $0x7F, v25;
	v13 =	vand.u32 $0xFFFFFF80, v10;
	v14 =	vsub.s32 v21, v0;
	[tilespmem:v20+s13+$0x0] =	vst.idx.msk vm3, v3  }
0x68: {  	v20 =	vand.u32 $0x7F, v27;
	v15 =	vand.u32 $0xFFFFFF80, v14;
	v16 =	vsub.s32 v5, v0;
	[tilespmem:v22+s13+$0x0] =	vst.idx.msk vm2, v3  }
0x69: {  	v23 =	vsub.s32 v18, v0;
	v24 =	vand.u32 $0x7F, v18;
	v18 =	vand.u32 $0xFFFFFF80, v16;
	[tilespmem:v26+s13+$0x0] =	vst.idx.msk vm7, v3  }
0x6a: {  	s17 =	sadd.s32 $0x80, s17;
	v21 =	vand.u32 $0x7F, v21;
	v22 =	vand.u32 $0x7F, v28;
	v25 =	vand.u32 $0xFFFFFF80, v23;
	[tilespmem:v29+s13+$0x0] =	vst.idx.msk vm1, v3  }
0x6b: {  	vm1 =	vlt.u32 v23, $0xC80  }
0x6c: {  	v59 =	vor.u32 v24, v25;
	vm2 =	vlt.u32 v7, $0xC80  }
0x6d: {  	v60 =	vor.u32 v17, v11;
	vm3 =	vlt.u32 v6, $0xC80  }
0x6e: {  	v61 =	vor.u32 v19, v8;
	vm4 =	vlt.u32 v9, $0xC80  }
0x6f: {  	v62 =	vor.u32 v20, v12;
	vm5 =	vlt.u32 v10, $0xC80  }
0x70: {  	[tilespmem:v4+s13+$0x0] =	vst.idx.msk vm0, v3;
	v4 =	vor.u32 v22, v13;
	vm15 =	vlt.u32 v14, $0xC80  }
0x71: {  	v5 =	vand.u32 $0x7F, v5;
	v63 =	vor.u32 v21, v15;
	vm6 =	vlt.u32 v16, $0xC80;
	[tilespmem:v59+s13+$0x0] =	vst.idx.msk vm1, v3  }
0x72: {  	v5 =	vor.u32 v5, v18;
	[tilespmem:v60+s13+$0x0] =	vst.idx.msk vm2, v3  }
0x73: {  	[tilespmem:v61+s13+$0x0] =	vst.idx.msk vm3, v3  }
0x74: {  	[tilespmem:v62+s13+$0x0] =	vst.idx.msk vm4, v3  }
0x75: {  	[tilespmem:v4+s13+$0x0] =	vst.idx.msk vm5, v3  }
0x76: {  	[tilespmem:v63+s13+$0x0] =	vst.idx.msk vm15, v3  }
0x77: {  	[tilespmem:v5+s13+$0x0] =	vst.idx.msk vm6, v3  }
0x78: {  	[hbm4b:s5+s3] =	stream.linear.scatter [tilespmem:s13], [sflag:$0x2], $0xC80, $0x38;
	[tilespmem:$0x4D80] =	vst v63  }
0x79: {  	_ =	swait.ge [sflag:s12], $0xC80  }
0x7a: {  	[sflag:s12] =	ssyncset.done $0x0  }
0x7b: {  	[sflag:s12] =	ssyncadd.s32 $0xFFFFF380  }
0x7c: {  	s15 =	sadd.s32 $0x1, s15;
	_ =	swait.ge [sflag:s14], $0xC80  }
0x7d: {  	p0 =	sne.s32 s15, s7;
	[sflag:s14] =	ssyncset.done $0x0  }
.Ltmp3:
0x7e: {  	[sflag:s14] =	ssyncadd.s32 $0xFFFFF380;
	(pc) =	sbr.rel @p0 .LBB2_1-.Ltmp3, $4  }
0x7f: {  	[hbm4b:s6+s3] =	stream.linear.scatter [tilespmem:s11], [sflag:$0x2], $0xC80, $0x38;
	[tilespmem:$0x4D80] =	vst v63  }
0x80: {  	_ =	swait.ge [sflag:s12], $0xC80  }
0x81: {  	[sflag:s12] =	ssyncset.done $0x0  }
0x82: {  	[sflag:s12] =	ssyncadd.s32 $0xFFFFF380  }
0x83: {  	_ =	sfence.sel $0x180000  }
0x84: {  	[bflag:$0x0] =	sbarrier.arrive $0xFFFF  }
0x85: {  	p0 =	sne.s32 s0, $0x0;
	_ =	strace $0x90000047  }
0x86: {  	s0 =	sadd.s32 @!p0 $0x100000, s1;
	[bflag:$0x2] =	sbarrier.arrive $0xFFFF  }
0x87: {  	[sflag:s0] =	ssyncadd.tile.s32 @!p0 $0x1;
	_ =	shalt  }
.Lfunc_end2:
_tile_overlayer_lowered:
.L_overlay_start_2:
0x88: {  	(tag) =	ssettag $0x2  }
0x89: {  	s0 =	rddreg [dreg:$0x0];
	s2 =	stileid.u32  }
0x8a: {  	s1 =	rddreg [dreg:$0x1];
	p0 =	sne.s32 s2, $0x0  }
0x8b: {  	s3 =	rddreg [dreg:$0x2];
	[bflag:$0x3] =	sbarrier.arrive $0xFFFF;
	s2 =	simm.s32 @!p0 $0x1C02  }
0x8c: {  	[timem:s3], [sflag:s2] =	dma.local @!p0 [hbm:s0], s1  }
0x8d: {  	s0 =	simm.s32 @!p0 $0x2  }
0x8e: {  	_ =	swait.ge @!p0 [sflag:s0], s1  }
0x8f: {  	s1 =	ssub.s32 @!p0 $0x0, s1;
	[sflag:s0] =	ssyncset.done @!p0 $0x0  }
0x90: {  	[sflag:s0] =	ssyncadd.s32 @!p0 s1  }
0x91: {  	[bflag:$0x3] =	sbarrier.arrive $0xFFFF  }
0x92: {  	_ =	shalt  }

</sc_bundles>
